<compile_context>
chip_gen: v7x
topology: tpu7x:2x2x1
jax: 0.10.2.dev20260603
libtpu: 0.0.44.dev20260713+nightly
codegen_flags: <defaults>
</compile_context>

<pallas_src>
import functools

import jax
import jax.numpy as jnp
from jax.experimental import pallas as pl
from jax.experimental.pallas import tpu as pltpu
from jax.experimental.pallas import tpu_sc as plsc

_N = 32768
_BATCH = 128
_NW = 32
_ROWS_PER_W = _BATCH // _NW
_CHUNK = 2048
_NCHUNK = _N // _CHUNK
_VECS = _CHUNK * 2 // 16
_L = 16


def _sc_argmax(x_hbm, out_hbm, buf, res):
    wid = jax.lax.axis_index("s") * 2 + jax.lax.axis_index("c")
    lane = jax.lax.iota(jnp.int32, _L)
    parity = (lane & 1) == 1
    neg_inf = jnp.full((_L,), -jnp.inf, jnp.float32)
    big = jnp.full((_L,), 1 << 30, jnp.int32)

    ones = jnp.ones((_L,), jnp.int32)

    for r_local in range(_ROWS_PER_W):
        row = wid * _ROWS_PER_W + r_local

        def chunk_body(c, carry):
            runmax, runidx = carry
            pltpu.sync_copy(
                x_hbm.at[row, pl.ds(c * _CHUNK, _CHUNK), :], buf
            )

            def vec_body(j, carry2):
                rm, ri = carry2
                v = plsc.load_gather(buf, [j * _L + lane, ones])
                gt = v > rm
                idxv = c * _CHUNK + j * _L + lane
                return jnp.where(gt, v, rm), jnp.where(gt, idxv, ri)

            return jax.lax.fori_loop(0, _CHUNK // _L, vec_body, (runmax, runidx))

        runmax, runidx = jax.lax.fori_loop(
            0, _NCHUNK, chunk_body,
            (neg_inf, jnp.zeros((_L,), jnp.int32)),
        )
        m = jnp.max(runmax)
        cand = jnp.where(runmax == m, runidx, big)
        opt = jnp.min(cand)
        res[...] = jnp.zeros((_L,), jnp.int32) + opt
        pltpu.sync_copy(res, out_hbm.at[row])


def _sc_argmax_call(x):
    mesh = plsc.VectorSubcoreMesh(core_axis_name="c", subcore_axis_name="s")
    kern = functools.partial(
        pl.kernel,
        mesh=mesh,
        out_type=jax.ShapeDtypeStruct((_BATCH, _L), jnp.int32),
        scratch_types=[
            pltpu.VMEM((_CHUNK, 2), jnp.float32),
            pltpu.VMEM((_L,), jnp.int32),
        ],
        compiler_params=pltpu.CompilerParams(
            needs_layout_passes=False, use_tc_tiling_on_sc=False
        ),
    )(_sc_argmax)
    return kern(x)


def _onehot_kernel(b_ref, o_ref):
    best = b_ref[:, 0:1]
    col = jax.lax.broadcasted_iota(jnp.int32, (b_ref.shape[0], _N), 1)
    o_ref[...] = (col == best).astype(jnp.float32)


def kernel(x):
    b, n, c = x.shape
    best = _sc_argmax_call(x)
    bt = 16
    return pl.pallas_call(
        _onehot_kernel,
        grid=(b // bt,),
        in_specs=[pl.BlockSpec((bt, _L), lambda i: (i, 0))],
        out_specs=pl.BlockSpec((bt, n), lambda i: (i, 0)),
        out_shape=jax.ShapeDtypeStruct((b, n), jnp.float32),
    )(best)

# --- scband reference (transcript-rebuilt; emitter-appended) ---
"""Pipeline reference for scband-argmax-answer-selector-26628797235562 (READ-ONLY COPY).

The authoritative reference and input builder live on the scoring server;
editing this copy changes nothing except your own understanding.
"""

import jax, jax.numpy as jnp
import numpy as np

NUM_OPTIONS = 32768

def setup_inputs(seed: int = 0) -> dict:
    key = jax.random.key(seed)
    x = jax.random.uniform(key, (128, NUM_OPTIONS, 2), dtype=jnp.float32)
    return {"x": x}

def reference(x):
    # x: (batch, num_options, 2). Take the 'true' entailment probability channel,
    # argmax over options, and one-hot encode the best option.
    entailment_prob = x[:, :, 1]
    best_option = jnp.argmax(entailment_prob, axis=1)
    return jax.nn.one_hot(best_option, NUM_OPTIONS, dtype=jnp.float32)

if __name__ == "__main__":
    import jax
    _d = setup_inputs()
    print(jax.jit(kernel)(*tuple(_d.values())))

</pallas_src>

<mosaic_0001>
#map = affine_map<(d0, d1) -> (0, 0, 0)>
#map1 = affine_map<(d0, d1) -> (0, 0)>
module attributes {stable_mosaic.version = 14 : i64} {
  func.func @_sc_argmax(%arg0: i32, %arg1: i32, %arg2: memref<128x32768x2xf32, #tpu.memory_space<hbm>>, %arg3: memref<128x16xi32, #tpu.memory_space<hbm>>, %arg4: memref<2048x2xf32, #tpu.memory_space<vmem>>, %arg5: memref<16xi32, #tpu.memory_space<vmem>>) attributes {dimension_semantics = [#tpu.dimension_semantics<core_parallel>, #tpu.dimension_semantics<subcore_parallel>], iteration_bounds = array<i64: 2, 16>, scalar_prefetch = 0 : i64, scratch_operands = 2 : i64, tpu.core_type = #tpu.core_type<sc_vector_subcore>, window_params = [{transform_indices = #map}, {transform_indices = #map1}]} {
    %mul3A = arith.constant 2 : i32
    %mul3A_0 = arith.muli %arg1, %mul3A : i32
    %add3A = arith.addi %mul3A_0, %arg0 : i32
    %iota3A = tpu.iota {dimensions = array<i32: 0>} : vector<16xi32>
    %and3A = arith.constant 1 : i32
    %and3A_1 = vector.broadcast %and3A : i32 to vector<16xi32>
    %and3A_2 = arith.andi %iota3A, %and3A_1 : vector<16xi32>
    %eq3A = arith.constant 1 : i32
    %eq3A_3 = vector.broadcast %eq3A : i32 to vector<16xi32>
    %eq3A_4 = arith.cmpi eq, %and3A_2, %eq3A_3 : vector<16xi32>
    %broadcast_in_dim3A = arith.constant 0xFF800000 : f32
    %broadcast_in_dim3A_5 = vector.broadcast %broadcast_in_dim3A : f32 to vector<16xf32>
    %broadcast_in_dim3A_6 = arith.constant 1073741824 : i32
    %broadcast_in_dim3A_7 = vector.broadcast %broadcast_in_dim3A_6 : i32 to vector<16xi32>
    %broadcast_in_dim3A_8 = arith.constant 1 : i32
    %broadcast_in_dim3A_9 = vector.broadcast %broadcast_in_dim3A_8 : i32 to vector<16xi32>
    %mul3A_10 = arith.constant 4 : i32
    %mul3A_11 = arith.muli %add3A, %mul3A_10 : i32
    %add3A_12 = arith.constant 0 : i32
    %add3A_13 = arith.addi %mul3A_11, %add3A_12 : i32
    %broadcast_in_dim3A_14 = arith.constant 0 : i32
    %broadcast_in_dim3A_15 = vector.broadcast %broadcast_in_dim3A_14 : i32 to vector<16xi32>
    %scan3A = arith.constant 0 : i32
    %scan3A_16 = arith.constant 16 : i32
    %scan3A_17 = arith.addi %scan3A, %scan3A_16 : i32
    %scan3A_18 = arith.constant 1 : i32
    %scan3A_19:2 = scf.for %scan3A_137 = %scan3A to %scan3A_17 step %scan3A_18 iter_args(%scan3A_138 = %broadcast_in_dim3A_5, %scan3A_139 = %broadcast_in_dim3A_15) -> (vector<16xf32>, vector<16xi32>)  : i32 {
      %mul3A_140 = arith.constant 2048 : i32
      %mul3A_141 = arith.muli %scan3A_137, %mul3A_140 : i32
      "tpu.region"() ({
        %run_scoped3A = tpu.sem_alloc : memref<!tpu.dma_semaphore, #tpu.memory_space<semaphore_mem>>
        %dma_start3A = arith.constant 0 : i32
        %dma_start3A_148 = tpu.memref_slice %arg2[%add3A_13, %mul3A_141, %dma_start3A] : memref<128x32768x2xf32, #tpu.memory_space<hbm>> -> memref<1x2048x2xf32, #tpu.memory_space<hbm>>
        %dma_start3A_149 = tpu.memref_squeeze %dma_start3A_148 : memref<1x2048x2xf32, #tpu.memory_space<hbm>> -> memref<2048x2xf32, #tpu.memory_space<hbm>>
        %dma_start3A_150 = arith.constant 0 : i32
        %dma_start3A_151 = tpu.memref_slice %arg2[%add3A_13, %mul3A_141, %dma_start3A_150] : memref<128x32768x2xf32, #tpu.memory_space<hbm>> -> memref<1x2048x2xf32, #tpu.memory_space<hbm>>
        %dma_start3A_152 = tpu.memref_squeeze %dma_start3A_151 : memref<1x2048x2xf32, #tpu.memory_space<hbm>> -> memref<2048x2xf32, #tpu.memory_space<hbm>>
        tpu.enqueue_dma source(%dma_start3A_152 : memref<2048x2xf32, #tpu.memory_space<hbm>>) target(%arg4 : memref<2048x2xf32, #tpu.memory_space<vmem>>) target_semaphore(%run_scoped3A : memref<!tpu.dma_semaphore, #tpu.memory_space<semaphore_mem>>)
        %dma_wait3A = arith.constant 0 : i32
        %dma_wait3A_153 = tpu.memref_slice %arg2[%add3A_13, %mul3A_141, %dma_wait3A] : memref<128x32768x2xf32, #tpu.memory_space<hbm>> -> memref<1x2048x2xf32, #tpu.memory_space<hbm>>
        %dma_wait3A_154 = tpu.memref_squeeze %dma_wait3A_153 : memref<1x2048x2xf32, #tpu.memory_space<hbm>> -> memref<2048x2xf32, #tpu.memory_space<hbm>>
        %dma_wait3A_155 = arith.constant 0 : i32
        %dma_wait3A_156 = tpu.memref_slice %arg2[%add3A_13, %mul3A_141, %dma_wait3A_155] : memref<128x32768x2xf32, #tpu.memory_space<hbm>> -> memref<1x2048x2xf32, #tpu.memory_space<hbm>>
        %dma_wait3A_157 = tpu.memref_squeeze %dma_wait3A_156 : memref<1x2048x2xf32, #tpu.memory_space<hbm>> -> memref<2048x2xf32, #tpu.memory_space<hbm>>
        tpu.wait_dma2 semaphore(%run_scoped3A : memref<!tpu.dma_semaphore, #tpu.memory_space<semaphore_mem>>) src(%dma_wait3A_157 : memref<2048x2xf32, #tpu.memory_space<hbm>>) dst(%arg4 : memref<2048x2xf32, #tpu.memory_space<vmem>>)
        tpu.yield
      }) : () -> ()
      %scan3A_142 = arith.constant 0 : i32
      %scan3A_143 = arith.constant 128 : i32
      %scan3A_144 = arith.addi %scan3A_142, %scan3A_143 : i32
      %scan3A_145 = arith.constant 1 : i32
      %scan3A_146:2 = scf.for %scan3A_148 = %scan3A_142 to %scan3A_144 step %scan3A_145 iter_args(%scan3A_149 = %scan3A_138, %scan3A_150 = %scan3A_139) -> (vector<16xf32>, vector<16xi32>)  : i32 {
        %mul3A_151 = arith.constant 16 : i32
        %mul3A_152 = arith.muli %scan3A_148, %mul3A_151 : i32
        %add3A_153 = vector.broadcast %mul3A_152 : i32 to vector<16xi32>
        %add3A_154 = arith.addi %add3A_153, %iota3A : vector<16xi32>
        %gather3A = tpu.vector_load_idx %arg4[%add3A_154, %broadcast_in_dim3A_9] : memref<2048x2xf32, #tpu.memory_space<vmem>>[vector<16xi32>, vector<16xi32>], vector<16xf32>,
        %gt3A = arith.cmpf ogt, %gather3A, %scan3A_149 : vector<16xf32>
        %mul3A_155 = arith.constant 2048 : i32
        %mul3A_156 = arith.muli %scan3A_137, %mul3A_155 : i32
        %mul3A_157 = arith.constant 16 : i32
        %mul3A_158 = arith.muli %scan3A_148, %mul3A_157 : i32
        %add3A_159 = arith.addi %mul3A_156, %mul3A_158 : i32
        %add3A_160 = vector.broadcast %add3A_159 : i32 to vector<16xi32>
        %add3A_161 = arith.addi %add3A_160, %iota3A : vector<16xi32>
        %select_n3A_162 = arith.select %gt3A, %gather3A, %scan3A_149 : vector<16xi1>, vector<16xf32>
        %select_n3A_163 = arith.select %gt3A, %add3A_161, %scan3A_150 : vector<16xi1>, vector<16xi32>
        scf.yield %select_n3A_162, %select_n3A_163 : vector<16xf32>, vector<16xi32>
      }
      %scan3A_147 = arith.constant 128 : i32
      scf.yield %scan3A_146#0, %scan3A_146#1 : vector<16xf32>, vector<16xi32>
    }
    %scan3A_20 = arith.constant 16 : i32
    %reduce_max3A = arith.constant true
    %reduce_max3A_21 = vector.broadcast %reduce_max3A : i1 to vector<16xi1>
    %reduce_max3A_22 = tpu.scan <max>, %scan3A_19#0 masked %reduce_max3A_21 : vector<16xf32>, vector<16xi1> -> vector<16xf32>
    %reduce_max3A_23 = vector.extract %reduce_max3A_22[15] : f32 from vector<16xf32>
    %eq3A_24 = vector.broadcast %reduce_max3A_23 : f32 to vector<16xf32>
    %eq3A_25 = arith.cmpf oeq, %scan3A_19#0, %eq3A_24 : vector<16xf32>
    %select_n3A = arith.select %eq3A_25, %scan3A_19#1, %broadcast_in_dim3A_7 : vector<16xi1>, vector<16xi32>
    %reduce_min3A = arith.constant true
    %reduce_min3A_26 = vector.broadcast %reduce_min3A : i1 to vector<16xi1>
    %reduce_min3A_27 = arith.constant -2147483648 : i32
    %reduce_min3A_28 = vector.broadcast %reduce_min3A_27 : i32 to vector<16xi32>
    %reduce_min3A_29 = arith.xori %select_n3A, %reduce_min3A_28 : vector<16xi32>
    %reduce_min3A_30 = tpu.scan <min>, %reduce_min3A_29 masked %reduce_min3A_26 : vector<16xi32>, vector<16xi1> -> vector<16xi32>
    %reduce_min3A_31 = arith.xori %reduce_min3A_30, %reduce_min3A_28 : vector<16xi32>
    %reduce_min3A_32 = vector.extract %reduce_min3A_31[15] : i32 from vector<16xi32>
    %broadcast_in_dim3A_33 = arith.constant 0 : i32
    %broadcast_in_dim3A_34 = vector.broadcast %broadcast_in_dim3A_33 : i32 to vector<16xi32>
    %add3A_35 = vector.broadcast %reduce_min3A_32 : i32 to vector<16xi32>
    %add3A_36 = arith.addi %broadcast_in_dim3A_34, %add3A_35 : vector<16xi32>
    %swap3A = arith.constant 0 : index
    %swap3A_37 = tpu.vector_load %arg5[%swap3A] {strides = array<i32>} : memref<16xi32, #tpu.memory_space<vmem>>, vector<16xi32>,
    tpu.vector_store %arg5[%swap3A], %add3A_36 {strides = array<i32>} : memref<16xi32, #tpu.memory_space<vmem>>, vector<16xi32>,
    "tpu.region"() ({
      %run_scoped3A = tpu.sem_alloc : memref<!tpu.dma_semaphore, #tpu.memory_space<semaphore_mem>>
      %dma_start3A = arith.constant 0 : i32
      %dma_start3A_137 = tpu.memref_slice %arg3[%add3A_13, %dma_start3A] : memref<128x16xi32, #tpu.memory_space<hbm>> -> memref<1x16xi32, #tpu.memory_space<hbm>>
      %dma_start3A_138 = tpu.memref_squeeze %dma_start3A_137 : memref<1x16xi32, #tpu.memory_space<hbm>> -> memref<16xi32, #tpu.memory_space<hbm>>
      %dma_start3A_139 = arith.constant 0 : i32
      %dma_start3A_140 = tpu.memref_slice %arg3[%add3A_13, %dma_start3A_139] : memref<128x16xi32, #tpu.memory_space<hbm>> -> memref<1x16xi32, #tpu.memory_space<hbm>>
      %dma_start3A_141 = tpu.memref_squeeze %dma_start3A_140 : memref<1x16xi32, #tpu.memory_space<hbm>> -> memref<16xi32, #tpu.memory_space<hbm>>
      tpu.enqueue_dma source(%arg5 : memref<16xi32, #tpu.memory_space<vmem>>) target(%dma_start3A_141 : memref<16xi32, #tpu.memory_space<hbm>>) target_semaphore(%run_scoped3A : memref<!tpu.dma_semaphore, #tpu.memory_space<semaphore_mem>>)
      %dma_wait3A = arith.constant 0 : i32
      %dma_wait3A_142 = tpu.memref_slice %arg3[%add3A_13, %dma_wait3A] : memref<128x16xi32, #tpu.memory_space<hbm>> -> memref<1x16xi32, #tpu.memory_space<hbm>>
      %dma_wait3A_143 = tpu.memref_squeeze %dma_wait3A_142 : memref<1x16xi32, #tpu.memory_space<hbm>> -> memref<16xi32, #tpu.memory_space<hbm>>
      %dma_wait3A_144 = arith.constant 0 : i32
      %dma_wait3A_145 = tpu.memref_slice %arg3[%add3A_13, %dma_wait3A_144] : memref<128x16xi32, #tpu.memory_space<hbm>> -> memref<1x16xi32, #tpu.memory_space<hbm>>
      %dma_wait3A_146 = tpu.memref_squeeze %dma_wait3A_145 : memref<1x16xi32, #tpu.memory_space<hbm>> -> memref<16xi32, #tpu.memory_space<hbm>>
      tpu.wait_dma2 semaphore(%run_scoped3A : memref<!tpu.dma_semaphore, #tpu.memory_space<semaphore_mem>>) src(%arg5 : memref<16xi32, #tpu.memory_space<vmem>>) dst(%dma_wait3A_146 : memref<16xi32, #tpu.memory_space<hbm>>)
      tpu.yield
    }) : () -> ()
    %mul3A_38 = arith.constant 4 : i32
    %mul3A_39 = arith.muli %add3A, %mul3A_38 : i32
    %add3A_40 = arith.constant 1 : i32
    %add3A_41 = arith.addi %mul3A_39, %add3A_40 : i32
    %broadcast_in_dim3A_42 = arith.constant 0 : i32
    %broadcast_in_dim3A_43 = vector.broadcast %broadcast_in_dim3A_42 : i32 to vector<16xi32>
    %scan3A_44 = arith.constant 0 : i32
    %scan3A_45 = arith.constant 16 : i32
    %scan3A_46 = arith.addi %scan3A_44, %scan3A_45 : i32
    %scan3A_47 = arith.constant 1 : i32
    %scan3A_48:2 = scf.for %scan3A_137 = %scan3A_44 to %scan3A_46 step %scan3A_47 iter_args(%scan3A_138 = %broadcast_in_dim3A_5, %scan3A_139 = %broadcast_in_dim3A_43) -> (vector<16xf32>, vector<16xi32>)  : i32 {
      %mul3A_140 = arith.constant 2048 : i32
      %mul3A_141 = arith.muli %scan3A_137, %mul3A_140 : i32
      "tpu.region"() ({
        %run_scoped3A = tpu.sem_alloc : memref<!tpu.dma_semaphore, #tpu.memory_space<semaphore_mem>>
        %dma_start3A = arith.constant 0 : i32
        %dma_start3A_148 = tpu.memref_slice %arg2[%add3A_41, %mul3A_141, %dma_start3A] : memref<128x32768x2xf32, #tpu.memory_space<hbm>> -> memref<1x2048x2xf32, #tpu.memory_space<hbm>>
        %dma_start3A_149 = tpu.memref_squeeze %dma_start3A_148 : memref<1x2048x2xf32, #tpu.memory_space<hbm>> -> memref<2048x2xf32, #tpu.memory_space<hbm>>
        %dma_start3A_150 = arith.constant 0 : i32
        %dma_start3A_151 = tpu.memref_slice %arg2[%add3A_41, %mul3A_141, %dma_start3A_150] : memref<128x32768x2xf32, #tpu.memory_space<hbm>> -> memref<1x2048x2xf32, #tpu.memory_space<hbm>>
        %dma_start3A_152 = tpu.memref_squeeze %dma_start3A_151 : memref<1x2048x2xf32, #tpu.memory_space<hbm>> -> memref<2048x2xf32, #tpu.memory_space<hbm>>
        tpu.enqueue_dma source(%dma_start3A_152 : memref<2048x2xf32, #tpu.memory_space<hbm>>) target(%arg4 : memref<2048x2xf32, #tpu.memory_space<vmem>>) target_semaphore(%run_scoped3A : memref<!tpu.dma_semaphore, #tpu.memory_space<semaphore_mem>>)
        %dma_wait3A = arith.constant 0 : i32
        %dma_wait3A_153 = tpu.memref_slice %arg2[%add3A_41, %mul3A_141, %dma_wait3A] : memref<128x32768x2xf32, #tpu.memory_space<hbm>> -> memref<1x2048x2xf32, #tpu.memory_space<hbm>>
        %dma_wait3A_154 = tpu.memref_squeeze %dma_wait3A_153 : memref<1x2048x2xf32, #tpu.memory_space<hbm>> -> memref<2048x2xf32, #tpu.memory_space<hbm>>
        %dma_wait3A_155 = arith.constant 0 : i32
        %dma_wait3A_156 = tpu.memref_slice %arg2[%add3A_41, %mul3A_141, %dma_wait3A_155] : memref<128x32768x2xf32, #tpu.memory_space<hbm>> -> memref<1x2048x2xf32, #tpu.memory_space<hbm>>
        %dma_wait3A_157 = tpu.memref_squeeze %dma_wait3A_156 : memref<1x2048x2xf32, #tpu.memory_space<hbm>> -> memref<2048x2xf32, #tpu.memory_space<hbm>>
        tpu.wait_dma2 semaphore(%run_scoped3A : memref<!tpu.dma_semaphore, #tpu.memory_space<semaphore_mem>>) src(%dma_wait3A_157 : memref<2048x2xf32, #tpu.memory_space<hbm>>) dst(%arg4 : memref<2048x2xf32, #tpu.memory_space<vmem>>)
        tpu.yield
      }) : () -> ()
      %scan3A_142 = arith.constant 0 : i32
      %scan3A_143 = arith.constant 128 : i32
      %scan3A_144 = arith.addi %scan3A_142, %scan3A_143 : i32
      %scan3A_145 = arith.constant 1 : i32
      %scan3A_146:2 = scf.for %scan3A_148 = %scan3A_142 to %scan3A_144 step %scan3A_145 iter_args(%scan3A_149 = %scan3A_138, %scan3A_150 = %scan3A_139) -> (vector<16xf32>, vector<16xi32>)  : i32 {
        %mul3A_151 = arith.constant 16 : i32
        %mul3A_152 = arith.muli %scan3A_148, %mul3A_151 : i32
        %add3A_153 = vector.broadcast %mul3A_152 : i32 to vector<16xi32>
        %add3A_154 = arith.addi %add3A_153, %iota3A : vector<16xi32>
        %gather3A = tpu.vector_load_idx %arg4[%add3A_154, %broadcast_in_dim3A_9] : memref<2048x2xf32, #tpu.memory_space<vmem>>[vector<16xi32>, vector<16xi32>], vector<16xf32>,
        %gt3A = arith.cmpf ogt, %gather3A, %scan3A_149 : vector<16xf32>
        %mul3A_155 = arith.constant 2048 : i32
        %mul3A_156 = arith.muli %scan3A_137, %mul3A_155 : i32
        %mul3A_157 = arith.constant 16 : i32
        %mul3A_158 = arith.muli %scan3A_148, %mul3A_157 : i32
        %add3A_159 = arith.addi %mul3A_156, %mul3A_158 : i32
        %add3A_160 = vector.broadcast %add3A_159 : i32 to vector<16xi32>
        %add3A_161 = arith.addi %add3A_160, %iota3A : vector<16xi32>
        %select_n3A_162 = arith.select %gt3A, %gather3A, %scan3A_149 : vector<16xi1>, vector<16xf32>
        %select_n3A_163 = arith.select %gt3A, %add3A_161, %scan3A_150 : vector<16xi1>, vector<16xi32>
        scf.yield %select_n3A_162, %select_n3A_163 : vector<16xf32>, vector<16xi32>
      }
      %scan3A_147 = arith.constant 128 : i32
      scf.yield %scan3A_146#0, %scan3A_146#1 : vector<16xf32>, vector<16xi32>
    }
    %scan3A_49 = arith.constant 16 : i32
    %reduce_max3A_50 = arith.constant true
    %reduce_max3A_51 = vector.broadcast %reduce_max3A_50 : i1 to vector<16xi1>
    %reduce_max3A_52 = tpu.scan <max>, %scan3A_48#0 masked %reduce_max3A_51 : vector<16xf32>, vector<16xi1> -> vector<16xf32>
    %reduce_max3A_53 = vector.extract %reduce_max3A_52[15] : f32 from vector<16xf32>
    %eq3A_54 = vector.broadcast %reduce_max3A_53 : f32 to vector<16xf32>
    %eq3A_55 = arith.cmpf oeq, %scan3A_48#0, %eq3A_54 : vector<16xf32>
    %select_n3A_56 = arith.select %eq3A_55, %scan3A_48#1, %broadcast_in_dim3A_7 : vector<16xi1>, vector<16xi32>
    %reduce_min3A_57 = arith.constant true
    %reduce_min3A_58 = vector.broadcast %reduce_min3A_57 : i1 to vector<16xi1>
    %reduce_min3A_59 = arith.constant -2147483648 : i32
    %reduce_min3A_60 = vector.broadcast %reduce_min3A_59 : i32 to vector<16xi32>
    %reduce_min3A_61 = arith.xori %select_n3A_56, %reduce_min3A_60 : vector<16xi32>
    %reduce_min3A_62 = tpu.scan <min>, %reduce_min3A_61 masked %reduce_min3A_58 : vector<16xi32>, vector<16xi1> -> vector<16xi32>
    %reduce_min3A_63 = arith.xori %reduce_min3A_62, %reduce_min3A_60 : vector<16xi32>
    %reduce_min3A_64 = vector.extract %reduce_min3A_63[15] : i32 from vector<16xi32>
    %broadcast_in_dim3A_65 = arith.constant 0 : i32
    %broadcast_in_dim3A_66 = vector.broadcast %broadcast_in_dim3A_65 : i32 to vector<16xi32>
    %add3A_67 = vector.broadcast %reduce_min3A_64 : i32 to vector<16xi32>
    %add3A_68 = arith.addi %broadcast_in_dim3A_66, %add3A_67 : vector<16xi32>
    %swap3A_69 = arith.constant 0 : index
    %swap3A_70 = tpu.vector_load %arg5[%swap3A_69] {strides = array<i32>} : memref<16xi32, #tpu.memory_space<vmem>>, vector<16xi32>,
    tpu.vector_store %arg5[%swap3A_69], %add3A_68 {strides = array<i32>} : memref<16xi32, #tpu.memory_space<vmem>>, vector<16xi32>,
    "tpu.region"() ({
      %run_scoped3A = tpu.sem_alloc : memref<!tpu.dma_semaphore, #tpu.memory_space<semaphore_mem>>
      %dma_start3A = arith.constant 0 : i32
      %dma_start3A_137 = tpu.memref_slice %arg3[%add3A_41, %dma_start3A] : memref<128x16xi32, #tpu.memory_space<hbm>> -> memref<1x16xi32, #tpu.memory_space<hbm>>
      %dma_start3A_138 = tpu.memref_squeeze %dma_start3A_137 : memref<1x16xi32, #tpu.memory_space<hbm>> -> memref<16xi32, #tpu.memory_space<hbm>>
      %dma_start3A_139 = arith.constant 0 : i32
      %dma_start3A_140 = tpu.memref_slice %arg3[%add3A_41, %dma_start3A_139] : memref<128x16xi32, #tpu.memory_space<hbm>> -> memref<1x16xi32, #tpu.memory_space<hbm>>
      %dma_start3A_141 = tpu.memref_squeeze %dma_start3A_140 : memref<1x16xi32, #tpu.memory_space<hbm>> -> memref<16xi32, #tpu.memory_space<hbm>>
      tpu.enqueue_dma source(%arg5 : memref<16xi32, #tpu.memory_space<vmem>>) target(%dma_start3A_141 : memref<16xi32, #tpu.memory_space<hbm>>) target_semaphore(%run_scoped3A : memref<!tpu.dma_semaphore, #tpu.memory_space<semaphore_mem>>)
      %dma_wait3A = arith.constant 0 : i32
      %dma_wait3A_142 = tpu.memref_slice %arg3[%add3A_41, %dma_wait3A] : memref<128x16xi32, #tpu.memory_space<hbm>> -> memref<1x16xi32, #tpu.memory_space<hbm>>
      %dma_wait3A_143 = tpu.memref_squeeze %dma_wait3A_142 : memref<1x16xi32, #tpu.memory_space<hbm>> -> memref<16xi32, #tpu.memory_space<hbm>>
      %dma_wait3A_144 = arith.constant 0 : i32
      %dma_wait3A_145 = tpu.memref_slice %arg3[%add3A_41, %dma_wait3A_144] : memref<128x16xi32, #tpu.memory_space<hbm>> -> memref<1x16xi32, #tpu.memory_space<hbm>>
      %dma_wait3A_146 = tpu.memref_squeeze %dma_wait3A_145 : memref<1x16xi32, #tpu.memory_space<hbm>> -> memref<16xi32, #tpu.memory_space<hbm>>
      tpu.wait_dma2 semaphore(%run_scoped3A : memref<!tpu.dma_semaphore, #tpu.memory_space<semaphore_mem>>) src(%arg5 : memref<16xi32, #tpu.memory_space<vmem>>) dst(%dma_wait3A_146 : memref<16xi32, #tpu.memory_space<hbm>>)
      tpu.yield
    }) : () -> ()
    %mul3A_71 = arith.constant 4 : i32
    %mul3A_72 = arith.muli %add3A, %mul3A_71 : i32
    %add3A_73 = arith.constant 2 : i32
    %add3A_74 = arith.addi %mul3A_72, %add3A_73 : i32
    %broadcast_in_dim3A_75 = arith.constant 0 : i32
    %broadcast_in_dim3A_76 = vector.broadcast %broadcast_in_dim3A_75 : i32 to vector<16xi32>
    %scan3A_77 = arith.constant 0 : i32
    %scan3A_78 = arith.constant 16 : i32
    %scan3A_79 = arith.addi %scan3A_77, %scan3A_78 : i32
    %scan3A_80 = arith.constant 1 : i32
    %scan3A_81:2 = scf.for %scan3A_137 = %scan3A_77 to %scan3A_79 step %scan3A_80 iter_args(%scan3A_138 = %broadcast_in_dim3A_5, %scan3A_139 = %broadcast_in_dim3A_76) -> (vector<16xf32>, vector<16xi32>)  : i32 {
      %mul3A_140 = arith.constant 2048 : i32
      %mul3A_141 = arith.muli %scan3A_137, %mul3A_140 : i32
      "tpu.region"() ({
        %run_scoped3A = tpu.sem_alloc : memref<!tpu.dma_semaphore, #tpu.memory_space<semaphore_mem>>
        %dma_start3A = arith.constant 0 : i32
        %dma_start3A_148 = tpu.memref_slice %arg2[%add3A_74, %mul3A_141, %dma_start3A] : memref<128x32768x2xf32, #tpu.memory_space<hbm>> -> memref<1x2048x2xf32, #tpu.memory_space<hbm>>
        %dma_start3A_149 = tpu.memref_squeeze %dma_start3A_148 : memref<1x2048x2xf32, #tpu.memory_space<hbm>> -> memref<2048x2xf32, #tpu.memory_space<hbm>>
        %dma_start3A_150 = arith.constant 0 : i32
        %dma_start3A_151 = tpu.memref_slice %arg2[%add3A_74, %mul3A_141, %dma_start3A_150] : memref<128x32768x2xf32, #tpu.memory_space<hbm>> -> memref<1x2048x2xf32, #tpu.memory_space<hbm>>
        %dma_start3A_152 = tpu.memref_squeeze %dma_start3A_151 : memref<1x2048x2xf32, #tpu.memory_space<hbm>> -> memref<2048x2xf32, #tpu.memory_space<hbm>>
        tpu.enqueue_dma source(%dma_start3A_152 : memref<2048x2xf32, #tpu.memory_space<hbm>>) target(%arg4 : memref<2048x2xf32, #tpu.memory_space<vmem>>) target_semaphore(%run_scoped3A : memref<!tpu.dma_semaphore, #tpu.memory_space<semaphore_mem>>)
        %dma_wait3A = arith.constant 0 : i32
        %dma_wait3A_153 = tpu.memref_slice %arg2[%add3A_74, %mul3A_141, %dma_wait3A] : memref<128x32768x2xf32, #tpu.memory_space<hbm>> -> memref<1x2048x2xf32, #tpu.memory_space<hbm>>
        %dma_wait3A_154 = tpu.memref_squeeze %dma_wait3A_153 : memref<1x2048x2xf32, #tpu.memory_space<hbm>> -> memref<2048x2xf32, #tpu.memory_space<hbm>>
        %dma_wait3A_155 = arith.constant 0 : i32
        %dma_wait3A_156 = tpu.memref_slice %arg2[%add3A_74, %mul3A_141, %dma_wait3A_155] : memref<128x32768x2xf32, #tpu.memory_space<hbm>> -> memref<1x2048x2xf32, #tpu.memory_space<hbm>>
        %dma_wait3A_157 = tpu.memref_squeeze %dma_wait3A_156 : memref<1x2048x2xf32, #tpu.memory_space<hbm>> -> memref<2048x2xf32, #tpu.memory_space<hbm>>
        tpu.wait_dma2 semaphore(%run_scoped3A : memref<!tpu.dma_semaphore, #tpu.memory_space<semaphore_mem>>) src(%dma_wait3A_157 : memref<2048x2xf32, #tpu.memory_space<hbm>>) dst(%arg4 : memref<2048x2xf32, #tpu.memory_space<vmem>>)
        tpu.yield
      }) : () -> ()
      %scan3A_142 = arith.constant 0 : i32
      %scan3A_143 = arith.constant 128 : i32
      %scan3A_144 = arith.addi %scan3A_142, %scan3A_143 : i32
      %scan3A_145 = arith.constant 1 : i32
      %scan3A_146:2 = scf.for %scan3A_148 = %scan3A_142 to %scan3A_144 step %scan3A_145 iter_args(%scan3A_149 = %scan3A_138, %scan3A_150 = %scan3A_139) -> (vector<16xf32>, vector<16xi32>)  : i32 {
        %mul3A_151 = arith.constant 16 : i32
        %mul3A_152 = arith.muli %scan3A_148, %mul3A_151 : i32
        %add3A_153 = vector.broadcast %mul3A_152 : i32 to vector<16xi32>
        %add3A_154 = arith.addi %add3A_153, %iota3A : vector<16xi32>
        %gather3A = tpu.vector_load_idx %arg4[%add3A_154, %broadcast_in_dim3A_9] : memref<2048x2xf32, #tpu.memory_space<vmem>>[vector<16xi32>, vector<16xi32>], vector<16xf32>,
        %gt3A = arith.cmpf ogt, %gather3A, %scan3A_149 : vector<16xf32>
        %mul3A_155 = arith.constant 2048 : i32
        %mul3A_156 = arith.muli %scan3A_137, %mul3A_155 : i32
        %mul3A_157 = arith.constant 16 : i32
        %mul3A_158 = arith.muli %scan3A_148, %mul3A_157 : i32
        %add3A_159 = arith.addi %mul3A_156, %mul3A_158 : i32
        %add3A_160 = vector.broadcast %add3A_159 : i32 to vector<16xi32>
        %add3A_161 = arith.addi %add3A_160, %iota3A : vector<16xi32>
        %select_n3A_162 = arith.select %gt3A, %gather3A, %scan3A_149 : vector<16xi1>, vector<16xf32>
        %select_n3A_163 = arith.select %gt3A, %add3A_161, %scan3A_150 : vector<16xi1>, vector<16xi32>
        scf.yield %select_n3A_162, %select_n3A_163 : vector<16xf32>, vector<16xi32>
      }
      %scan3A_147 = arith.constant 128 : i32
      scf.yield %scan3A_146#0, %scan3A_146#1 : vector<16xf32>, vector<16xi32>
    }
    %scan3A_82 = arith.constant 16 : i32
    %reduce_max3A_83 = arith.constant true
    %reduce_max3A_84 = vector.broadcast %reduce_max3A_83 : i1 to vector<16xi1>
    %reduce_max3A_85 = tpu.scan <max>, %scan3A_81#0 masked %reduce_max3A_84 : vector<16xf32>, vector<16xi1> -> vector<16xf32>
    %reduce_max3A_86 = vector.extract %reduce_max3A_85[15] : f32 from vector<16xf32>
    %eq3A_87 = vector.broadcast %reduce_max3A_86 : f32 to vector<16xf32>
    %eq3A_88 = arith.cmpf oeq, %scan3A_81#0, %eq3A_87 : vector<16xf32>
    %select_n3A_89 = arith.select %eq3A_88, %scan3A_81#1, %broadcast_in_dim3A_7 : vector<16xi1>, vector<16xi32>
    %reduce_min3A_90 = arith.constant true
    %reduce_min3A_91 = vector.broadcast %reduce_min3A_90 : i1 to vector<16xi1>
    %reduce_min3A_92 = arith.constant -2147483648 : i32
    %reduce_min3A_93 = vector.broadcast %reduce_min3A_92 : i32 to vector<16xi32>
    %reduce_min3A_94 = arith.xori %select_n3A_89, %reduce_min3A_93 : vector<16xi32>
    %reduce_min3A_95 = tpu.scan <min>, %reduce_min3A_94 masked %reduce_min3A_91 : vector<16xi32>, vector<16xi1> -> vector<16xi32>
    %reduce_min3A_96 = arith.xori %reduce_min3A_95, %reduce_min3A_93 : vector<16xi32>
    %reduce_min3A_97 = vector.extract %reduce_min3A_96[15] : i32 from vector<16xi32>
    %broadcast_in_dim3A_98 = arith.constant 0 : i32
    %broadcast_in_dim3A_99 = vector.broadcast %broadcast_in_dim3A_98 : i32 to vector<16xi32>
    %add3A_100 = vector.broadcast %reduce_min3A_97 : i32 to vector<16xi32>
    %add3A_101 = arith.addi %broadcast_in_dim3A_99, %add3A_100 : vector<16xi32>
    %swap3A_102 = arith.constant 0 : index
    %swap3A_103 = tpu.vector_load %arg5[%swap3A_102] {strides = array<i32>} : memref<16xi32, #tpu.memory_space<vmem>>, vector<16xi32>,
    tpu.vector_store %arg5[%swap3A_102], %add3A_101 {strides = array<i32>} : memref<16xi32, #tpu.memory_space<vmem>>, vector<16xi32>,
    "tpu.region"() ({
      %run_scoped3A = tpu.sem_alloc : memref<!tpu.dma_semaphore, #tpu.memory_space<semaphore_mem>>
      %dma_start3A = arith.constant 0 : i32
      %dma_start3A_137 = tpu.memref_slice %arg3[%add3A_74, %dma_start3A] : memref<128x16xi32, #tpu.memory_space<hbm>> -> memref<1x16xi32, #tpu.memory_space<hbm>>
      %dma_start3A_138 = tpu.memref_squeeze %dma_start3A_137 : memref<1x16xi32, #tpu.memory_space<hbm>> -> memref<16xi32, #tpu.memory_space<hbm>>
      %dma_start3A_139 = arith.constant 0 : i32
      %dma_start3A_140 = tpu.memref_slice %arg3[%add3A_74, %dma_start3A_139] : memref<128x16xi32, #tpu.memory_space<hbm>> -> memref<1x16xi32, #tpu.memory_space<hbm>>
      %dma_start3A_141 = tpu.memref_squeeze %dma_start3A_140 : memref<1x16xi32, #tpu.memory_space<hbm>> -> memref<16xi32, #tpu.memory_space<hbm>>
      tpu.enqueue_dma source(%arg5 : memref<16xi32, #tpu.memory_space<vmem>>) target(%dma_start3A_141 : memref<16xi32, #tpu.memory_space<hbm>>) target_semaphore(%run_scoped3A : memref<!tpu.dma_semaphore, #tpu.memory_space<semaphore_mem>>)
      %dma_wait3A = arith.constant 0 : i32
      %dma_wait3A_142 = tpu.memref_slice %arg3[%add3A_74, %dma_wait3A] : memref<128x16xi32, #tpu.memory_space<hbm>> -> memref<1x16xi32, #tpu.memory_space<hbm>>
      %dma_wait3A_143 = tpu.memref_squeeze %dma_wait3A_142 : memref<1x16xi32, #tpu.memory_space<hbm>> -> memref<16xi32, #tpu.memory_space<hbm>>
      %dma_wait3A_144 = arith.constant 0 : i32
      %dma_wait3A_145 = tpu.memref_slice %arg3[%add3A_74, %dma_wait3A_144] : memref<128x16xi32, #tpu.memory_space<hbm>> -> memref<1x16xi32, #tpu.memory_space<hbm>>
      %dma_wait3A_146 = tpu.memref_squeeze %dma_wait3A_145 : memref<1x16xi32, #tpu.memory_space<hbm>> -> memref<16xi32, #tpu.memory_space<hbm>>
      tpu.wait_dma2 semaphore(%run_scoped3A : memref<!tpu.dma_semaphore, #tpu.memory_space<semaphore_mem>>) src(%arg5 : memref<16xi32, #tpu.memory_space<vmem>>) dst(%dma_wait3A_146 : memref<16xi32, #tpu.memory_space<hbm>>)
      tpu.yield
    }) : () -> ()
    %mul3A_104 = arith.constant 4 : i32
    %mul3A_105 = arith.muli %add3A, %mul3A_104 : i32
    %add3A_106 = arith.constant 3 : i32
    %add3A_107 = arith.addi %mul3A_105, %add3A_106 : i32
    %broadcast_in_dim3A_108 = arith.constant 0 : i32
    %broadcast_in_dim3A_109 = vector.broadcast %broadcast_in_dim3A_108 : i32 to vector<16xi32>
    %scan3A_110 = arith.constant 0 : i32
    %scan3A_111 = arith.constant 16 : i32
    %scan3A_112 = arith.addi %scan3A_110, %scan3A_111 : i32
    %scan3A_113 = arith.constant 1 : i32
    %scan3A_114:2 = scf.for %scan3A_137 = %scan3A_110 to %scan3A_112 step %scan3A_113 iter_args(%scan3A_138 = %broadcast_in_dim3A_5, %scan3A_139 = %broadcast_in_dim3A_109) -> (vector<16xf32>, vector<16xi32>)  : i32 {
      %mul3A_140 = arith.constant 2048 : i32
      %mul3A_141 = arith.muli %scan3A_137, %mul3A_140 : i32
      "tpu.region"() ({
        %run_scoped3A = tpu.sem_alloc : memref<!tpu.dma_semaphore, #tpu.memory_space<semaphore_mem>>
        %dma_start3A = arith.constant 0 : i32
        %dma_start3A_148 = tpu.memref_slice %arg2[%add3A_107, %mul3A_141, %dma_start3A] : memref<128x32768x2xf32, #tpu.memory_space<hbm>> -> memref<1x2048x2xf32, #tpu.memory_space<hbm>>
        %dma_start3A_149 = tpu.memref_squeeze %dma_start3A_148 : memref<1x2048x2xf32, #tpu.memory_space<hbm>> -> memref<2048x2xf32, #tpu.memory_space<hbm>>
        %dma_start3A_150 = arith.constant 0 : i32
        %dma_start3A_151 = tpu.memref_slice %arg2[%add3A_107, %mul3A_141, %dma_start3A_150] : memref<128x32768x2xf32, #tpu.memory_space<hbm>> -> memref<1x2048x2xf32, #tpu.memory_space<hbm>>
        %dma_start3A_152 = tpu.memref_squeeze %dma_start3A_151 : memref<1x2048x2xf32, #tpu.memory_space<hbm>> -> memref<2048x2xf32, #tpu.memory_space<hbm>>
        tpu.enqueue_dma source(%dma_start3A_152 : memref<2048x2xf32, #tpu.memory_space<hbm>>) target(%arg4 : memref<2048x2xf32, #tpu.memory_space<vmem>>) target_semaphore(%run_scoped3A : memref<!tpu.dma_semaphore, #tpu.memory_space<semaphore_mem>>)
        %dma_wait3A = arith.constant 0 : i32
        %dma_wait3A_153 = tpu.memref_slice %arg2[%add3A_107, %mul3A_141, %dma_wait3A] : memref<128x32768x2xf32, #tpu.memory_space<hbm>> -> memref<1x2048x2xf32, #tpu.memory_space<hbm>>
        %dma_wait3A_154 = tpu.memref_squeeze %dma_wait3A_153 : memref<1x2048x2xf32, #tpu.memory_space<hbm>> -> memref<2048x2xf32, #tpu.memory_space<hbm>>
        %dma_wait3A_155 = arith.constant 0 : i32
        %dma_wait3A_156 = tpu.memref_slice %arg2[%add3A_107, %mul3A_141, %dma_wait3A_155] : memref<128x32768x2xf32, #tpu.memory_space<hbm>> -> memref<1x2048x2xf32, #tpu.memory_space<hbm>>
        %dma_wait3A_157 = tpu.memref_squeeze %dma_wait3A_156 : memref<1x2048x2xf32, #tpu.memory_space<hbm>> -> memref<2048x2xf32, #tpu.memory_space<hbm>>
        tpu.wait_dma2 semaphore(%run_scoped3A : memref<!tpu.dma_semaphore, #tpu.memory_space<semaphore_mem>>) src(%dma_wait3A_157 : memref<2048x2xf32, #tpu.memory_space<hbm>>) dst(%arg4 : memref<2048x2xf32, #tpu.memory_space<vmem>>)
        tpu.yield
      }) : () -> ()
      %scan3A_142 = arith.constant 0 : i32
      %scan3A_143 = arith.constant 128 : i32
      %scan3A_144 = arith.addi %scan3A_142, %scan3A_143 : i32
      %scan3A_145 = arith.constant 1 : i32
      %scan3A_146:2 = scf.for %scan3A_148 = %scan3A_142 to %scan3A_144 step %scan3A_145 iter_args(%scan3A_149 = %scan3A_138, %scan3A_150 = %scan3A_139) -> (vector<16xf32>, vector<16xi32>)  : i32 {
        %mul3A_151 = arith.constant 16 : i32
        %mul3A_152 = arith.muli %scan3A_148, %mul3A_151 : i32
        %add3A_153 = vector.broadcast %mul3A_152 : i32 to vector<16xi32>
        %add3A_154 = arith.addi %add3A_153, %iota3A : vector<16xi32>
        %gather3A = tpu.vector_load_idx %arg4[%add3A_154, %broadcast_in_dim3A_9] : memref<2048x2xf32, #tpu.memory_space<vmem>>[vector<16xi32>, vector<16xi32>], vector<16xf32>,
        %gt3A = arith.cmpf ogt, %gather3A, %scan3A_149 : vector<16xf32>
        %mul3A_155 = arith.constant 2048 : i32
        %mul3A_156 = arith.muli %scan3A_137, %mul3A_155 : i32
        %mul3A_157 = arith.constant 16 : i32
        %mul3A_158 = arith.muli %scan3A_148, %mul3A_157 : i32
        %add3A_159 = arith.addi %mul3A_156, %mul3A_158 : i32
        %add3A_160 = vector.broadcast %add3A_159 : i32 to vector<16xi32>
        %add3A_161 = arith.addi %add3A_160, %iota3A : vector<16xi32>
        %select_n3A_162 = arith.select %gt3A, %gather3A, %scan3A_149 : vector<16xi1>, vector<16xf32>
        %select_n3A_163 = arith.select %gt3A, %add3A_161, %scan3A_150 : vector<16xi1>, vector<16xi32>
        scf.yield %select_n3A_162, %select_n3A_163 : vector<16xf32>, vector<16xi32>
      }
      %scan3A_147 = arith.constant 128 : i32
      scf.yield %scan3A_146#0, %scan3A_146#1 : vector<16xf32>, vector<16xi32>
    }
    %scan3A_115 = arith.constant 16 : i32
    %reduce_max3A_116 = arith.constant true
    %reduce_max3A_117 = vector.broadcast %reduce_max3A_116 : i1 to vector<16xi1>
    %reduce_max3A_118 = tpu.scan <max>, %scan3A_114#0 masked %reduce_max3A_117 : vector<16xf32>, vector<16xi1> -> vector<16xf32>
    %reduce_max3A_119 = vector.extract %reduce_max3A_118[15] : f32 from vector<16xf32>
    %eq3A_120 = vector.broadcast %reduce_max3A_119 : f32 to vector<16xf32>
    %eq3A_121 = arith.cmpf oeq, %scan3A_114#0, %eq3A_120 : vector<16xf32>
    %select_n3A_122 = arith.select %eq3A_121, %scan3A_114#1, %broadcast_in_dim3A_7 : vector<16xi1>, vector<16xi32>
    %reduce_min3A_123 = arith.constant true
    %reduce_min3A_124 = vector.broadcast %reduce_min3A_123 : i1 to vector<16xi1>
    %reduce_min3A_125 = arith.constant -2147483648 : i32
    %reduce_min3A_126 = vector.broadcast %reduce_min3A_125 : i32 to vector<16xi32>
    %reduce_min3A_127 = arith.xori %select_n3A_122, %reduce_min3A_126 : vector<16xi32>
    %reduce_min3A_128 = tpu.scan <min>, %reduce_min3A_127 masked %reduce_min3A_124 : vector<16xi32>, vector<16xi1> -> vector<16xi32>
    %reduce_min3A_129 = arith.xori %reduce_min3A_128, %reduce_min3A_126 : vector<16xi32>
    %reduce_min3A_130 = vector.extract %reduce_min3A_129[15] : i32 from vector<16xi32>
    %broadcast_in_dim3A_131 = arith.constant 0 : i32
    %broadcast_in_dim3A_132 = vector.broadcast %broadcast_in_dim3A_131 : i32 to vector<16xi32>
    %add3A_133 = vector.broadcast %reduce_min3A_130 : i32 to vector<16xi32>
    %add3A_134 = arith.addi %broadcast_in_dim3A_132, %add3A_133 : vector<16xi32>
    %swap3A_135 = arith.constant 0 : index
    %swap3A_136 = tpu.vector_load %arg5[%swap3A_135] {strides = array<i32>} : memref<16xi32, #tpu.memory_space<vmem>>, vector<16xi32>,
    tpu.vector_store %arg5[%swap3A_135], %add3A_134 {strides = array<i32>} : memref<16xi32, #tpu.memory_space<vmem>>, vector<16xi32>,
    "tpu.region"() ({
      %run_scoped3A = tpu.sem_alloc : memref<!tpu.dma_semaphore, #tpu.memory_space<semaphore_mem>>
      %dma_start3A = arith.constant 0 : i32
      %dma_start3A_137 = tpu.memref_slice %arg3[%add3A_107, %dma_start3A] : memref<128x16xi32, #tpu.memory_space<hbm>> -> memref<1x16xi32, #tpu.memory_space<hbm>>
      %dma_start3A_138 = tpu.memref_squeeze %dma_start3A_137 : memref<1x16xi32, #tpu.memory_space<hbm>> -> memref<16xi32, #tpu.memory_space<hbm>>
      %dma_start3A_139 = arith.constant 0 : i32
      %dma_start3A_140 = tpu.memref_slice %arg3[%add3A_107, %dma_start3A_139] : memref<128x16xi32, #tpu.memory_space<hbm>> -> memref<1x16xi32, #tpu.memory_space<hbm>>
      %dma_start3A_141 = tpu.memref_squeeze %dma_start3A_140 : memref<1x16xi32, #tpu.memory_space<hbm>> -> memref<16xi32, #tpu.memory_space<hbm>>
      tpu.enqueue_dma source(%arg5 : memref<16xi32, #tpu.memory_space<vmem>>) target(%dma_start3A_141 : memref<16xi32, #tpu.memory_space<hbm>>) target_semaphore(%run_scoped3A : memref<!tpu.dma_semaphore, #tpu.memory_space<semaphore_mem>>)
      %dma_wait3A = arith.constant 0 : i32
      %dma_wait3A_142 = tpu.memref_slice %arg3[%add3A_107, %dma_wait3A] : memref<128x16xi32, #tpu.memory_space<hbm>> -> memref<1x16xi32, #tpu.memory_space<hbm>>
      %dma_wait3A_143 = tpu.memref_squeeze %dma_wait3A_142 : memref<1x16xi32, #tpu.memory_space<hbm>> -> memref<16xi32, #tpu.memory_space<hbm>>
      %dma_wait3A_144 = arith.constant 0 : i32
      %dma_wait3A_145 = tpu.memref_slice %arg3[%add3A_107, %dma_wait3A_144] : memref<128x16xi32, #tpu.memory_space<hbm>> -> memref<1x16xi32, #tpu.memory_space<hbm>>
      %dma_wait3A_146 = tpu.memref_squeeze %dma_wait3A_145 : memref<1x16xi32, #tpu.memory_space<hbm>> -> memref<16xi32, #tpu.memory_space<hbm>>
      tpu.wait_dma2 semaphore(%run_scoped3A : memref<!tpu.dma_semaphore, #tpu.memory_space<semaphore_mem>>) src(%arg5 : memref<16xi32, #tpu.memory_space<vmem>>) dst(%dma_wait3A_146 : memref<16xi32, #tpu.memory_space<hbm>>)
      tpu.yield
    }) : () -> ()
    return
  }
}

module attributes {stable_mosaic.version = 14 : i64} {
  func.func @_onehot_kernel(%arg0: i32, %arg1: memref<16x16xi32, #tpu.memory_space<vmem>>, %arg2: memref<16x32768xf32, #tpu.memory_space<vmem>>) attributes {dimension_semantics = [#tpu.dimension_semantics<arbitrary>], iteration_bounds = array<i64: 8>, scalar_prefetch = 0 : i64, scratch_operands = 0 : i64, tpu.core_type = #tpu.core_type<tc>, window_params = [{transform_indices = @transform_0, window_bounds = array<i64: 16, 16>}, {transform_indices = @transform_1, window_bounds = array<i64: 16, 32768>}]} {
    %get3A = arith.constant 0 : index
    %get3A_0 = arith.constant 0 : index
    %get3A_1 = vector.load %arg1[%get3A, %get3A_0] : memref<16x16xi32, #tpu.memory_space<vmem>>, vector<16x1xi32>
    %iota3A = tpu.iota {dimensions = array<i32: 1>} : vector<16x32768xi32>
    %eq3A = vector.broadcast %get3A_1 : vector<16x1xi32> to vector<16x32768xi32>
    %eq3A_2 = arith.cmpi eq, %iota3A, %eq3A : vector<16x32768xi32>
    %convert_element_type3A = arith.extui %eq3A_2 : vector<16x32768xi1> to vector<16x32768xi32>
    %convert_element_type3A_3 = arith.sitofp %convert_element_type3A : vector<16x32768xi32> to vector<16x32768xf32>
    %swap3A = arith.constant 0 : index
    %swap3A_4 = arith.constant 0 : index
    %swap3A_5 = vector.load %arg2[%swap3A, %swap3A_4] : memref<16x32768xf32, #tpu.memory_space<vmem>>, vector<16x32768xf32>
    tpu.vector_store %arg2[%swap3A, %swap3A_4], %convert_element_type3A_3 {strides = array<i32>} : memref<16x32768xf32, #tpu.memory_space<vmem>>, vector<16x32768xf32>,
    return
  }
  func.func @transform_0(%arg0: i32) -> (i32, i32) {
    %c0_i32 = arith.constant 0 : i32
    %c0_i32_0 = arith.constant 0 : i32
    return %arg0, %c0_i32 : i32, i32
  }
  func.func @transform_1(%arg0: i32) -> (i32, i32) {
    %c0_i32 = arith.constant 0 : i32
    %c0_i32_0 = arith.constant 0 : i32
    return %arg0, %c0_i32 : i32, i32
  }
}

</mosaic_0001>

<sc_bundles>
// kernel: kernel.4.cloned.1.call-start
scs
__scs_entry_jumppad:
0x0: {  	(pc) =	sbr.rel $0x88, $3  }
0x1: {  	(tag) =	ssettag $0x0;
	lr =	simm.s32 $0x1  }
0x2: {  	[smem:$0x3FA0] =	sst lr;
	_ =	strace $0xD0000000  }
0x3: {  	_ = 	snop  }
0x4: {  	_ = 	snop  }
0x5: {  	_ = 	snop  }
0x6: {  	_ = 	snop  }
0x7: {  	_ = 	snop  }
__scs_overlays_trampoline_lowered:
0x8: {  	[smem:$0x3FAF] =	sst s0  }
0x9: {  	[smem:$0x3FB0] =	sst s1  }
0xa: {  	[smem:$0x3FB1] =	sst s2  }
0xb: {  	[smem:$0x3FB2] =	sst s3  }
0xc: {  	[smem:$0x3FB3] =	sst s4  }
0xd: {  	[smem:$0x3FB4] =	sst s5  }
0xe: {  	[smem:$0x3FB5] =	sst s6  }
0xf: {  	[smem:$0x3FB6] =	sst s7  }
0x10: {  	[smem:$0x3FB7] =	sst s8  }
0x11: {  	[smem:$0x3FB8] =	sst s9;
	s0 =	simm.s32 @!p0 $0x0  }
0x12: {  	s1 =	sld [smem:$0x3F9E];
	s0 =	simm.s32 @p0 $0x1  }
0x13: {  	[smem:$0x3FB9] =	sst s0;
	s0 =	simm.s32 @!p1 $0x0  }
0x14: {  	s2 =	sld [smem:$0x3F9D];
	s0 =	simm.s32 @p1 $0x1  }
0x15: {  	[smem:$0x3FBA] =	sst s0;
	s0 =	simm.s32 @!p2 $0x0  }
0x16: {  	s3 =	sld [smem:$0x3FDB];
	s0 =	simm.s32 @p2 $0x1  }
0x17: {  	s4 =	simm.s32 $0x1BF5;
	[smem:$0x3FBC] =	sst s0  }
0x18: {  	s0 =	sld [smem:$0x3F9F];
	_ =	swait.ge [sflag:s4], $0x0  }
0x19: {  	s7 =	sld [smem:$0x3FA0]  }
0x1a: {  	s8 =	sadd.s32 $0xFFFFE003, lr  }
0x1b: {  	s9 =	sadd.s32 $0xFFFFFEF7, lr;
	s5 =	simm.s32 $0xFFFFFFFF;
	p2 =	slt.u32 s8, $0xFFFFF086  }
0x1c: {  	p1 =	slt.u32 s9, $0xF7A;
	s5 =	simm.s32 @!p2 $0x0  }
0x1d: {  	s5 =	simm.s32 @p1 $0x1;
	p0 =	seq.s32 s7, s2  }
0x1e: {  	s7 =	smul.u32 @!p0 $0xF7A, s2;
	p2 =	seq.s32 @!p0 s5, $0x0  }
0x1f: {  	s9 =	smul.u32 $0xF7A, s1;
	s8 =	simm.s32 @!p0 $0x1BF5;
	p2 =	por !p2, p0  }
0x20: {  	[sflag:s8] =	ssyncset.s32 @!p0 $0xFFFFF086;
	s6 =	sadd.s32 @!p0 s3, s7;
	s7 =	simm.s32 @!p0 $0x108  }
0x21: {  	s3 =	sadd.s32 s3, s9;
	s6 =	sadd.s32 @!p0 $0x88, s6;
	s7 =	simm.s32 @p2 $0x1082  }
0x22: {  	[simem:s7], [sflag:s8] =	dma.local @!p0 [hbm:s6], $0xF7A  }
0x23: {  	s9 =	sor.u32 $0xD0000000, s2;
	s6 =	simm.s32 $0x108;
	_ =	swait.ge @!p0 [sflag:s8], $0x0  }
0x24: {  	s3 =	sadd.s32 $0x88, s3;
	s6 =	simm.s32 @!p1 $0x1082;
	[sflag:s4] =	ssyncset.s32 $0xFFFFF086  }
0x25: {  	[simem:s6], [sflag:s4] =	dma.local [hbm:s3], $0xF7A  }
0x26: {  	[smem:$0x3FA0] =	sst s1;
	(tag) =	ssettag s2;
	_ =	strace s9  }
0x27: {  	s1 =	sld [smem:$0x3FB0]  }
0x28: {  	s2 =	sld [smem:$0x3FB1]  }
0x29: {  	s4 =	sld [smem:$0x3FB3]  }
0x2a: {  	p0 =	seq.s32 s5, $0x0;
	s5 =	sld [smem:$0x3FB4]  }
0x2b: {  	s6 =	sld [smem:$0x3FB5]  }
0x2c: {  	s7 =	sld [smem:$0x3FB6]  }
0x2d: {  	s3 =	simm.s32 $0x108;
	s8 =	sld [smem:$0x3FB7]  }
0x2e: {  	s3 =	simm.s32 @!p0 $0x1082;
	s9 =	sld [smem:$0x3FB8]  }
0x2f: {  	lr =	sadd.s32 s0, s3;
	s0 =	sld [smem:$0x3FAF]  }
0x30: {  	s3 =	sld [smem:$0x3FB2]  }
0x31: {  	[smem:$0x3FBB] =	sst s10  }
0x32: {  	s10 =	sld [smem:$0x3FB9];
	_ =	sdelay $0x3  }
0x33: {  	p0 =	seq.s32 s10, $0x1;
	s10 =	sld [smem:$0x3FBB];
	_ =	sdelay $0x3  }
0x34: {  	[smem:$0x3FBB] =	sst s10  }
0x35: {  	s10 =	sld [smem:$0x3FBA];
	_ =	sdelay $0x3  }
0x36: {  	p1 =	seq.s32 s10, $0x1;
	s10 =	sld [smem:$0x3FBB];
	_ =	sdelay $0x3  }
0x37: {  	[smem:$0x3FBB] =	sst s10  }
0x38: {  	s10 =	sld [smem:$0x3FBC]  }
0x39: {  	_ = 	snop;
	(pc) =	sbr.ind lr, $3  }
0x3a: {  	_ = 	snop  }
0x3b: {  	_ = 	snop  }
0x3c: {  	p2 =	seq.s32 s10, $0x1;
	s10 =	sld [smem:$0x3FBB]  }
0x3d: {  	_ =	shalt  }
0x3e: {  	_ =	shalt  }
0x3f: {  	_ =	shalt  }
0x40: {  	_ =	shalt  }
0x41: {  	_ =	shalt  }
0x42: {  	_ =	shalt  }
0x43: {  	_ =	shalt  }
0x44: {  	_ =	shalt  }
0x45: {  	_ =	shalt  }
0x46: {  	_ =	shalt  }
0x47: {  	_ =	shalt  }
0x48: {  	_ =	shalt  }
0x49: {  	_ =	shalt  }
0x4a: {  	_ =	shalt  }
0x4b: {  	_ =	shalt  }
0x4c: {  	_ =	shalt  }
0x4d: {  	_ =	shalt  }
0x4e: {  	_ =	shalt  }
0x4f: {  	_ =	shalt  }
0x50: {  	_ =	shalt  }
0x51: {  	_ =	shalt  }
0x52: {  	_ =	shalt  }
0x53: {  	_ =	shalt  }
0x54: {  	_ =	shalt  }
0x55: {  	_ =	shalt  }
0x56: {  	_ =	shalt  }
0x57: {  	_ =	shalt  }
0x58: {  	_ =	shalt  }
0x59: {  	_ =	shalt  }
0x5a: {  	_ =	shalt  }
0x5b: {  	_ =	shalt  }
0x5c: {  	_ =	shalt  }
0x5d: {  	_ =	shalt  }
0x5e: {  	_ =	shalt  }
0x5f: {  	_ =	shalt  }
0x60: {  	_ =	shalt  }
0x61: {  	_ =	shalt  }
0x62: {  	_ =	shalt  }
0x63: {  	_ =	shalt  }
0x64: {  	_ =	shalt  }
0x65: {  	_ =	shalt  }
0x66: {  	_ =	shalt  }
0x67: {  	_ =	shalt  }
0x68: {  	_ =	shalt  }
0x69: {  	_ =	shalt  }
0x6a: {  	_ =	shalt  }
0x6b: {  	_ =	shalt  }
0x6c: {  	_ =	shalt  }
0x6d: {  	_ =	shalt  }
0x6e: {  	_ =	shalt  }
0x6f: {  	_ =	shalt  }
0x70: {  	_ =	shalt  }
0x71: {  	_ =	shalt  }
0x72: {  	_ =	shalt  }
0x73: {  	_ =	shalt  }
0x74: {  	_ =	shalt  }
0x75: {  	_ =	shalt  }
0x76: {  	_ =	shalt  }
0x77: {  	_ =	shalt  }
0x78: {  	_ =	shalt  }
0x79: {  	_ =	shalt  }
0x7a: {  	_ =	shalt  }
0x7b: {  	_ =	shalt  }
0x7c: {  	_ =	shalt  }
0x7d: {  	_ =	shalt  }
0x7e: {  	_ =	shalt  }
0x7f: {  	_ =	shalt  }
0x80: {  	_ =	shalt  }
0x81: {  	_ =	shalt  }
0x82: {  	_ =	shalt  }
0x83: {  	_ =	shalt  }
0x84: {  	_ =	shalt  }
0x85: {  	_ =	shalt  }
0x86: {  	_ =	shalt  }
0x87: {  	_ =	shalt  }
.Lfunc_end0:
.L_simem_size_0:
called_computation_lowered:
.L_overlay_start_0:
0x88: {  	s2 =	sld [smem:$0x3FD9]  }
0x89: {  	s3 =	sld [smem:$0x3FFE];
	_ =	sdelay $0x1  }
0x8a: {  	s1 =	srdreg.scid  }
0x8b: {  	s0 =	sand.u32 $0x1, s1  }
0x8c: {  	s17 =	sshll.u32 s0, $0xA;
	s2 =	sadd.s32 s3, s2  }
0x8d: {  	s2 =	sadd.s32 s2, s17  }
0x8e: {  	[smem:$0x3FC7] =	sst s2  }
0x8f: {  	_ = 	snop  }
0x90: {  	s2 =	sld [smem:$0x3FD0];
	(tm) =	ssettm $0x1  }
0x91: {  	s18 =	sld [smem:$0x3FFB];
	_ =	sdelay $0x3  }
0x92: {  	_ =	strace s18  }
0x93: {  	s3 =	sld [smem:$0x3FFC];
	_ =	sdelay $0x3  }
0x94: {  	_ =	strace s3  }
0x95: {  	s3 =	sld [smem:$0x3FFD];
	_ =	sdelay $0x3  }
0x96: {  	_ =	strace s3  }
0x97: {  	_ =	strace $0x8FFFFFFF  }
0x98: {  	s19 =	sld [smem:$0x3FDB];
	_ =	sdelay $0x1  }
0x99: {  	s4 =	simm.s32 $_scs_section_size  }
0x9a: {  	s5 =	simm.s32 $_size__tile_overlayer_lowered;
	s6 =	simm.s32 $_tile_overlayer_lowered  }
0x9b: {  	s22 =	simm.s32 $0x1BFF;
	s21 =	sshll.u32 s6, $0x1;
	s3 =	sadd.s32 s4, s19  }
0x9c: {  	s7 =	simm.s32 $0x0;
	s20 =	sshll.u32 s5, $0x1;
	s5 =	sadd.s32 s21, s3  }
0x9d: {  	[timem:s7], [sflag:s22] =	dma.local [hbm:s5], s20  }
0x9e: {  	_ =	swait.ge [sflag:s22], s20  }
0x9f: {  	s4 =	ssub.s32 $0x0, s20;
	[sflag:s22] =	ssyncset.done $0x0  }
0xa0: {  	[sflag:s22] =	ssyncadd.s32 s4;
	_ =	sdelay $0x1  }
0xa1: {  	s23 =	simm.s32 $0x1B8B  }
0xa2: {  	_ =	swait.ge [sflag:s23], $0x1  }
0xa3: {  	[sflag:s23] =	ssyncset.done $0x0  }
0xa4: {  	s25 =	simm.s32 $0x1B8E;
	s24 =	sld [smem:$0x3FFE];
	[sflag:s23] =	ssyncadd.s32 $0xFFFFFFFF  }
0xa5: {  	s26 =	simm.s32 $execute0_lowered;
	[smem:$0x3FD2] =	sst s25  }
0xa6: {  	s5 =	sshll.u32 s26, $0x1;
	_ =	strace $0x80000046;
	[dreg:$0x1] =	wrdreg $0xFFFFFFFF  }
0xa7: {  	s28 =	simm.s32 $_size_execute0_lowered;
	s3 =	sadd.s32 s3, s5;
	[dreg:$0x0] =	wrdreg $0x0  }
0xa8: {  	s5 =	sshll.u32 s28, $0x1;
	[dreg:$0x2] =	wrdreg s3  }
0xa9: {  	[dreg:$0x3] =	wrdreg s5  }
0xaa: {  	[dreg:$0x4] =	wrdreg $0xC0  }
0xab: {  	_ =	task [dreg:s7], $0x5FFFF  }
0xac: {  	[dreg:$0x1] =	wrdreg $0xFFFFFFFF  }
0xad: {  	[dreg:$0x0] =	wrdreg $0x60  }
0xae: {  	[dreg:$0x2] =	wrdreg s24  }
0xaf: {  	[dreg:$0x3] =	wrdreg s2  }
0xb0: {  	[dreg:$0x4] =	wrdreg $0x9  }
0xb1: {  	_ =	task.clear_ibuf [dreg:s7], $0x5FFFF;
	_ =	strace $0x90000046  }
0xb2: {  	s29 =	simm.s32 $0x9;
	_ =	strace $0x80000048  }
0xb3: {  	_ =	swait.ge [sflag:s29], $0x1  }
0xb4: {  	[sflag:s29] =	ssyncadd.s32 $0xFFFFFFFF  }
0xb5: {  	_ =	strace $0x90000048  }
0xb6: {  	_ =	sfence  }
0xb7: {  	s30 =	sld [smem:$0x0];
	_ =	sdelay $0x2  }
0xb8: {  	s31 =	sshll.u32 s1, $0xD;
	s1 =	sshrl.u32 s1, $0x2  }
0xb9: {  	s3 =	sand.u32 $0x4000, s31;
	s1 =	sadd.s32 s1, s30  }
0xba: {  	s0 =	sor.u32 s3, s0;
	s1 =	sshll.u32 s1, $0x11  }
0xbb: {  	s0 =	sor.u32 s1, s0  }
0xbc: {  	s0 =	sadd.s32 $0x8F2B, s0  }
0xbd: {  	[sflag:s0] =	ssyncadd.remote.s32 $0x1  }
0xbe: {  	_ =	sfence.sel $0xFFFF  }
0xbf: {  	[dreg:$0x0] =	wrdreg $0xFFFFFFFF;
	(pc) =	sbr.abs _section_cstart, $3  }
0xc0: {  	[dreg:$0x1] =	wrdreg $0xFFFFFFFF  }
0xc1: {  	_ =	task.clear_ibuf [dreg:s7], $0x2FFFF;
	_ =	strace $0x9FFFFFFF  }
0xc2: {  	(tm) =	ssettm $0x7FFFFFFF  }
0xc3: {  	_ =	shalt  }
tec
execute0_lowered:
.L_overlay_start_1:
0x0: {  	(tag) =	ssettag $0x1  }
0x1: {  	s3 =	rddreg [dreg:$0x0]  }
0x2: {  	s10 =	rddreg [dreg:$0x1]  }
0x3: {  	s0 =	rddreg [dreg:$0x2]  }
0x4: {  	s2 =	simm.s32 $0x0;
	s4 =	srdreg.scid;
	s1 =	stileid.u32  }
0x5: {  	s14 =	simm.s32 $0x0;
	[smem:$0x7FF] =	sst s2;
	s4 =	sand.u32 $0x1, s4  }
0x6: {  	s6 =	sshll.u32 s1, $0x3;
	s5 =	ssub.s32 $0x2, s4;
	s4 =	sshll.u32 s4, $0x2  }
0x7: {  	s9 =	sadd.s32 $0x400, s3;
	s25 =	sshrl.u32 s5, $0x1;
	s8 =	sor.u32 s4, s6  }
0x8: {  	_ =	strace $0x80000047;
	s11 =	ssub.s32 s5, s25;
	s26 =	sshll.u32 s8, $0xF  }
0x9: {  	s4 =	sshll.u32 s8, $0x1;
	s28 =	sor.u32 $0x1, s8;
	s12 =	sor.u32 $0x2, s8  }
0xa: {  	s13 =	sor.u32 $0x3, s8;
	s3 =	sadd.s32 s9, s26;
	s4 =	sadd.s32 s10, s4  }
0xb: {  	s29 =	sshll.u32 s28, $0xF;
	s7 =	sshll.u32 s28, $0x1;
	s30 =	sshll.u32 s12, $0xF  }
0xc: {  	s12 =	sshll.u32 s12, $0x1;
	s31 =	sshll.u32 s13, $0xF;
	s13 =	sshll.u32 s13, $0x1  }
0xd: {  	s11 =	smax.u32 s11, $0x1;
	s5 =	sadd.s32 s9, s29;
	s6 =	sadd.s32 s10, s7  }
0xe: {  	v0 =	vlaneseq.u32;
	s7 =	sadd.s32 s9, s30;
	s8 =	sadd.s32 s10, s12;
	s9 =	sadd.s32 s9, s31  }
0xf: {  	v1 =	vmul.u32 $0x8, v0;
	s10 =	sadd.s32 s10, s13;
	s12 =	simm.s32 $0x1;
	s13 =	simm.s32 $0x4000  }
.LBB2_1:
0x10: {  	v3 =	vimm.f32 $-Inf;
	v2 =	vimm.s32 $0x0;
	s15 =	simm.s32 $0x0;
	s16 =	simm.s32 $0x0  }
.LBB2_2:
0x11: {  	s17 =	simm.s32 $0x0  }
0x12: {  	v4 =	vmov s17  }
0x13: {  	s18 =	sshll.u32 s16, $0xB;
	v4 =	vshll.u32 v4, $0x3  }
0x14: {  	s18 =	sadd.s32 s18, s3;
	v4 =	vor.u32 v1, v4  }
0x15: {  	[tilespmem:s17], [sflag:$0x1] =	stream.linear.gather [hbm4b:s18+s17], $0x4000, $0x38;
	v4 =	vor.u32 $0x1, v4;
	[tilespmem:$0x4010] =	vst v63  }
0x16: {  	s18 =	simm.s32 $0x10  }
0x17: {  	_ =	swait.ge [sflag:s12], $0x4000;
	v5 =	vmov s18  }
0x18: {  	[sflag:s12] =	ssyncset.done $0x0;
	v5 =	vshll.u32 v5, $0x3  }
0x19: {  	[sflag:s12] =	ssyncadd.s32 $0xFFFFC000;
	v5 =	vor.u32 v1, v5  }
0x1a: {  	s19 =	simm.s32 $0x20;
	v5 =	vor.u32 $0x1, v5;
	v4 =	vld.idx.msk [tilespmem:v4+s2+$0x0], $0xffff  }
.LBB2_3:
0x1b: {  	p0 =	sne.s32 s19, $0x7F0  }
.Ltmp0:
0x1c: {  	_ = 	snop;
	(pc) =	sbr.rel @p0 .LBB2_3-.Ltmp0, $4  }
0x1d: {  	v6 =	vmov s19  }
0x1e: {  	s21 =	sadd.s32 s17, s15;
	v6 =	vshll.u32 v6, $0x3  }
0x1f: {  	s20 =	smov.u32 s19;
	v7 =	vor.u32 s21, v0;
	v6 =	vor.u32 v1, v6;
	vm0 =	vgt.f32 v4, v3;
	v8 =	vmovc v4  }
0x20: {  	s19 =	sadd.s32 $0x10, s19;
	s17 =	smov.u32 s18;
	s18 =	smov.u32 s20;
	v4 =	vld.idx.msk [tilespmem:v5+s2+$0x0], $0xffff;
	v5 =	vor.u32 $0x1, v6;
	v3 =	vsel vm0, v8, v3;
	v2 =	vsel vm0, v7, v2  }
0x21: {  	_ =	sdelay $0x3  }
0x22: {  	v5 =	vld.idx.msk [tilespmem:v5+s2+$0x0], $0xffff;
	s16 =	sadd.s32 $0x1, s16  }
0x23: {  	p0 =	sne.s32 s16, $0x10  }
.Ltmp1:
0x24: {  	_ = 	snop;
	(pc) =	sbr.rel @p0 .LBB2_2-.Ltmp1, $4  }
0x25: {  	s17 =	sadd.s32 s17, s15;
	vm0 =	vgt.f32 v4, v3  }
0x26: {  	s31 =	sadd.s32 s18, s15;
	v6 =	vor.u32 s17, v0;
	v3 =	vsel vm0, v4, v3  }
0x27: {  	v2 =	vsel vm0, v6, v2;
	v4 =	vor.u32 s31, v0;
	vm15 =	vgt.f32 v5, v3  }
0x28: {  	s15 =	sadd.s32 $0x800, s15;
	v3 =	vsel vm15, v5, v3;
	v2 =	vsel vm15, v4, v2  }
0x29: {  	(xrf0) =	vmax.scan.msk.f32 $0xffff, v3;
	_ =	sdelay $0x5  }
0x2a: {  	v4, _, _ =	vpop (xrf0)  }
0x2b: {  	v4 =	vbroadcast v4, $0xF;
	_ =	sdelay $0x1  }
0x2c: {  	v2 =	vxor.u32 $0x80000000, v2;
	vm0 =	veq.f32 v3, v4  }
0x2d: {  	v2 =	vnsel vm0, $0xC0000000, v2  }
0x2e: {  	(xrf0) =	vmin.scan.msk.u32 $0xffff, v2;
	_ =	sdelay $0x5  }
0x2f: {  	v2, _, _ =	vpop (xrf0)  }
0x30: {  	(v2sf) =	vpush v2, $0xF;
	_ =	sdelay $0xe  }
0x31: {  	s15 =	spop (v2sf)  }
0x32: {  	s15 =	sxor.u32 $0x80000000, s15  }
0x33: {  	v2 =	vmov s15  }
0x34: {  	s15 =	simm.s32 $0x0;
	[tilespmem:$0x4000] =	vst v2  }
0x35: {  	[hbm4b:s4+s15] =	stream.linear.scatter [tilespmem:s13], [sflag:$0x1], $0x10, $0x38;
	[tilespmem:$0x4010] =	vst v63  }
0x36: {  	_ =	swait.ge [sflag:s12], $0x10  }
0x37: {  	[sflag:s12] =	ssyncset.done $0x0  }
0x38: {  	s16 =	simm.s32 $0x0;
	s17 =	simm.s32 $0x0;
	v3 =	vimm.f32 $-Inf;
	v2 =	vimm.s32 $0x0;
	[sflag:s12] =	ssyncadd.s32 $0xFFFFFFF0  }
.LBB2_6:
0x39: {  	v4 =	vmov s15  }
0x3a: {  	s18 =	sshll.u32 s17, $0xB;
	v4 =	vshll.u32 v4, $0x3  }
0x3b: {  	s18 =	sadd.s32 s18, s5;
	v4 =	vor.u32 v1, v4  }
0x3c: {  	[tilespmem:s15], [sflag:$0x1] =	stream.linear.gather [hbm4b:s18+s15], $0x4000, $0x38;
	v4 =	vor.u32 $0x1, v4;
	[tilespmem:$0x4010] =	vst v63  }
0x3d: {  	s18 =	simm.s32 $0x10  }
0x3e: {  	_ =	swait.ge [sflag:s12], $0x4000;
	v5 =	vmov s18  }
0x3f: {  	[sflag:s12] =	ssyncset.done $0x0;
	v5 =	vshll.u32 v5, $0x3  }
0x40: {  	[sflag:s12] =	ssyncadd.s32 $0xFFFFC000;
	v5 =	vor.u32 v1, v5  }
0x41: {  	s19 =	simm.s32 $0x20;
	s20 =	simm.s32 $0x0;
	v5 =	vor.u32 $0x1, v5;
	v4 =	vld.idx.msk [tilespmem:v4+s2+$0x0], $0xffff  }
.LBB2_7:
0x42: {  	p0 =	sne.s32 s19, $0x7F0  }
.Ltmp2:
0x43: {  	_ = 	snop;
	(pc) =	sbr.rel @p0 .LBB2_7-.Ltmp2, $4  }
0x44: {  	v6 =	vmov s19  }
0x45: {  	s22 =	sadd.s32 s20, s16;
	v6 =	vshll.u32 v6, $0x3  }
0x46: {  	s21 =	smov.u32 s19;
	v7 =	vor.u32 s22, v0;
	v6 =	vor.u32 v1, v6;
	vm0 =	vgt.f32 v4, v3;
	v8 =	vmovc v4  }
0x47: {  	s19 =	sadd.s32 $0x10, s19;
	s20 =	smov.u32 s18;
	s18 =	smov.u32 s21;
	v4 =	vld.idx.msk [tilespmem:v5+s2+$0x0], $0xffff;
	v5 =	vor.u32 $0x1, v6;
	v3 =	vsel vm0, v8, v3;
	v2 =	vsel vm0, v7, v2  }
0x48: {  	_ =	sdelay $0x3  }
0x49: {  	v5 =	vld.idx.msk [tilespmem:v5+s2+$0x0], $0xffff;
	s17 =	sadd.s32 $0x1, s17  }
0x4a: {  	p0 =	sne.s32 s17, $0x10  }
.Ltmp3:
0x4b: {  	_ = 	snop;
	(pc) =	sbr.rel @p0 .LBB2_6-.Ltmp3, $4  }
0x4c: {  	s19 =	sadd.s32 s20, s16;
	vm0 =	vgt.f32 v4, v3  }
0x4d: {  	s18 =	sadd.s32 s18, s16;
	v6 =	vor.u32 s19, v0;
	v3 =	vsel vm0, v4, v3  }
0x4e: {  	v2 =	vsel vm0, v6, v2;
	v4 =	vor.u32 s18, v0;
	vm15 =	vgt.f32 v5, v3  }
0x4f: {  	s16 =	sadd.s32 $0x800, s16;
	v3 =	vsel vm15, v5, v3;
	v2 =	vsel vm15, v4, v2  }
0x50: {  	(xrf0) =	vmax.scan.msk.f32 $0xffff, v3;
	_ =	sdelay $0x5  }
0x51: {  	v4, _, _ =	vpop (xrf0)  }
0x52: {  	v4 =	vbroadcast v4, $0xF;
	_ =	sdelay $0x1  }
0x53: {  	v2 =	vxor.u32 $0x80000000, v2;
	vm0 =	veq.f32 v3, v4  }
0x54: {  	v2 =	vnsel vm0, $0xC0000000, v2  }
0x55: {  	(xrf0) =	vmin.scan.msk.u32 $0xffff, v2;
	_ =	sdelay $0x5  }
0x56: {  	v2, _, _ =	vpop (xrf0)  }
0x57: {  	(v2sf) =	vpush v2, $0xF;
	_ =	sdelay $0xe  }
0x58: {  	s15 =	spop (v2sf)  }
0x59: {  	s15 =	sxor.u32 $0x80000000, s15  }
0x5a: {  	v2 =	vmov s15  }
0x5b: {  	s15 =	simm.s32 $0x0;
	[tilespmem:$0x4000] =	vst v2  }
0x5c: {  	[hbm4b:s6+s15] =	stream.linear.scatter [tilespmem:s13], [sflag:$0x1], $0x10, $0x38;
	[tilespmem:$0x4010] =	vst v63  }
0x5d: {  	_ =	swait.ge [sflag:s12], $0x10  }
0x5e: {  	[sflag:s12] =	ssyncset.done $0x0  }
0x5f: {  	s16 =	simm.s32 $0x0;
	s17 =	simm.s32 $0x0;
	v3 =	vimm.f32 $-Inf;
	v2 =	vimm.s32 $0x0;
	[sflag:s12] =	ssyncadd.s32 $0xFFFFFFF0  }
.LBB2_10:
0x60: {  	v4 =	vmov s15  }
0x61: {  	s18 =	sshll.u32 s17, $0xB;
	v4 =	vshll.u32 v4, $0x3  }
0x62: {  	s18 =	sadd.s32 s18, s7;
	v4 =	vor.u32 v1, v4  }
0x63: {  	[tilespmem:s15], [sflag:$0x1] =	stream.linear.gather [hbm4b:s18+s15], $0x4000, $0x38;
	v4 =	vor.u32 $0x1, v4;
	[tilespmem:$0x4010] =	vst v63  }
0x64: {  	s18 =	simm.s32 $0x10  }
0x65: {  	_ =	swait.ge [sflag:s12], $0x4000;
	v5 =	vmov s18  }
0x66: {  	[sflag:s12] =	ssyncset.done $0x0;
	v5 =	vshll.u32 v5, $0x3  }
0x67: {  	[sflag:s12] =	ssyncadd.s32 $0xFFFFC000;
	v5 =	vor.u32 v1, v5  }
0x68: {  	s19 =	simm.s32 $0x20;
	s20 =	simm.s32 $0x0;
	v5 =	vor.u32 $0x1, v5;
	v4 =	vld.idx.msk [tilespmem:v4+s2+$0x0], $0xffff  }
.LBB2_11:
0x69: {  	p0 =	sne.s32 s19, $0x7F0  }
.Ltmp4:
0x6a: {  	_ = 	snop;
	(pc) =	sbr.rel @p0 .LBB2_11-.Ltmp4, $4  }
0x6b: {  	v6 =	vmov s19  }
0x6c: {  	s22 =	sadd.s32 s20, s16;
	v6 =	vshll.u32 v6, $0x3  }
0x6d: {  	s21 =	smov.u32 s19;
	v7 =	vor.u32 s22, v0;
	v6 =	vor.u32 v1, v6;
	vm0 =	vgt.f32 v4, v3;
	v8 =	vmovc v4  }
0x6e: {  	s19 =	sadd.s32 $0x10, s19;
	s20 =	smov.u32 s18;
	s18 =	smov.u32 s21;
	v4 =	vld.idx.msk [tilespmem:v5+s2+$0x0], $0xffff;
	v5 =	vor.u32 $0x1, v6;
	v3 =	vsel vm0, v8, v3;
	v2 =	vsel vm0, v7, v2  }
0x6f: {  	_ =	sdelay $0x3  }
0x70: {  	v5 =	vld.idx.msk [tilespmem:v5+s2+$0x0], $0xffff;
	s17 =	sadd.s32 $0x1, s17  }
0x71: {  	p0 =	sne.s32 s17, $0x10  }
.Ltmp5:
0x72: {  	_ = 	snop;
	(pc) =	sbr.rel @p0 .LBB2_10-.Ltmp5, $4  }
0x73: {  	s19 =	sadd.s32 s20, s16;
	vm0 =	vgt.f32 v4, v3  }
0x74: {  	s18 =	sadd.s32 s18, s16;
	v6 =	vor.u32 s19, v0;
	v3 =	vsel vm0, v4, v3  }
0x75: {  	v2 =	vsel vm0, v6, v2;
	v4 =	vor.u32 s18, v0;
	vm15 =	vgt.f32 v5, v3  }
0x76: {  	s16 =	sadd.s32 $0x800, s16;
	v3 =	vsel vm15, v5, v3;
	v2 =	vsel vm15, v4, v2  }
0x77: {  	(xrf0) =	vmax.scan.msk.f32 $0xffff, v3;
	_ =	sdelay $0x5  }
0x78: {  	v4, _, _ =	vpop (xrf0)  }
0x79: {  	v4 =	vbroadcast v4, $0xF;
	_ =	sdelay $0x1  }
0x7a: {  	v2 =	vxor.u32 $0x80000000, v2;
	vm0 =	veq.f32 v3, v4  }
0x7b: {  	v2 =	vnsel vm0, $0xC0000000, v2  }
0x7c: {  	(xrf0) =	vmin.scan.msk.u32 $0xffff, v2;
	_ =	sdelay $0x5  }
0x7d: {  	v2, _, _ =	vpop (xrf0)  }
0x7e: {  	(v2sf) =	vpush v2, $0xF;
	_ =	sdelay $0xe  }
0x7f: {  	s15 =	spop (v2sf)  }
0x80: {  	s15 =	sxor.u32 $0x80000000, s15  }
0x81: {  	v2 =	vmov s15  }
0x82: {  	s15 =	simm.s32 $0x0;
	[tilespmem:$0x4000] =	vst v2  }
0x83: {  	[hbm4b:s8+s15] =	stream.linear.scatter [tilespmem:s13], [sflag:$0x1], $0x10, $0x38;
	[tilespmem:$0x4010] =	vst v63  }
0x84: {  	_ =	swait.ge [sflag:s12], $0x10  }
0x85: {  	[sflag:s12] =	ssyncset.done $0x0  }
0x86: {  	s16 =	simm.s32 $0x0;
	s17 =	simm.s32 $0x0;
	v3 =	vimm.f32 $-Inf;
	v2 =	vimm.s32 $0x0;
	[sflag:s12] =	ssyncadd.s32 $0xFFFFFFF0  }
.LBB2_14:
0x87: {  	v4 =	vmov s15  }
0x88: {  	s18 =	sshll.u32 s17, $0xB;
	v4 =	vshll.u32 v4, $0x3  }
0x89: {  	s18 =	sadd.s32 s18, s9;
	v4 =	vor.u32 v1, v4  }
0x8a: {  	[tilespmem:s15], [sflag:$0x1] =	stream.linear.gather [hbm4b:s18+s15], $0x4000, $0x38;
	v4 =	vor.u32 $0x1, v4;
	[tilespmem:$0x4010] =	vst v63  }
0x8b: {  	s18 =	simm.s32 $0x10  }
0x8c: {  	_ =	swait.ge [sflag:s12], $0x4000;
	v5 =	vmov s18  }
0x8d: {  	[sflag:s12] =	ssyncset.done $0x0;
	v5 =	vshll.u32 v5, $0x3  }
0x8e: {  	[sflag:s12] =	ssyncadd.s32 $0xFFFFC000;
	v5 =	vor.u32 v1, v5  }
0x8f: {  	s19 =	simm.s32 $0x20;
	s20 =	simm.s32 $0x0;
	v5 =	vor.u32 $0x1, v5;
	v4 =	vld.idx.msk [tilespmem:v4+s2+$0x0], $0xffff  }
.LBB2_15:
0x90: {  	p0 =	sne.s32 s19, $0x7F0  }
.Ltmp6:
0x91: {  	_ = 	snop;
	(pc) =	sbr.rel @p0 .LBB2_15-.Ltmp6, $4  }
0x92: {  	v6 =	vmov s19  }
0x93: {  	s22 =	sadd.s32 s20, s16;
	v6 =	vshll.u32 v6, $0x3  }
0x94: {  	s21 =	smov.u32 s19;
	v7 =	vor.u32 s22, v0;
	v6 =	vor.u32 v1, v6;
	vm0 =	vgt.f32 v4, v3;
	v8 =	vmovc v4  }
0x95: {  	s19 =	sadd.s32 $0x10, s19;
	s20 =	smov.u32 s18;
	s18 =	smov.u32 s21;
	v4 =	vld.idx.msk [tilespmem:v5+s2+$0x0], $0xffff;
	v5 =	vor.u32 $0x1, v6;
	v3 =	vsel vm0, v8, v3;
	v2 =	vsel vm0, v7, v2  }
0x96: {  	_ =	sdelay $0x3  }
0x97: {  	v5 =	vld.idx.msk [tilespmem:v5+s2+$0x0], $0xffff;
	s17 =	sadd.s32 $0x1, s17  }
0x98: {  	p0 =	sne.s32 s17, $0x10  }
.Ltmp7:
0x99: {  	_ = 	snop;
	(pc) =	sbr.rel @p0 .LBB2_14-.Ltmp7, $4  }
0x9a: {  	s19 =	sadd.s32 s20, s16;
	vm0 =	vgt.f32 v4, v3  }
0x9b: {  	s18 =	sadd.s32 s18, s16;
	v6 =	vor.u32 s19, v0;
	v3 =	vsel vm0, v4, v3  }
0x9c: {  	v2 =	vsel vm0, v6, v2;
	v4 =	vor.u32 s18, v0;
	vm15 =	vgt.f32 v5, v3  }
0x9d: {  	s16 =	sadd.s32 $0x800, s16;
	v3 =	vsel vm15, v5, v3;
	v2 =	vsel vm15, v4, v2  }
0x9e: {  	(xrf0) =	vmax.scan.msk.f32 $0xffff, v3;
	_ =	sdelay $0x5  }
0x9f: {  	v4, _, _ =	vpop (xrf0)  }
0xa0: {  	v4 =	vbroadcast v4, $0xF;
	_ =	sdelay $0x1  }
0xa1: {  	v2 =	vxor.u32 $0x80000000, v2;
	vm0 =	veq.f32 v3, v4  }
0xa2: {  	v2 =	vnsel vm0, $0xC0000000, v2  }
0xa3: {  	(xrf0) =	vmin.scan.msk.u32 $0xffff, v2;
	_ =	sdelay $0x5  }
0xa4: {  	v2, _, _ =	vpop (xrf0)  }
0xa5: {  	(v2sf) =	vpush v2, $0xF;
	_ =	sdelay $0xe  }
0xa6: {  	s15 =	spop (v2sf)  }
0xa7: {  	s14 =	sadd.s32 $0x1, s14;
	s15 =	sxor.u32 $0x80000000, s15  }
0xa8: {  	p0 =	sne.s32 s14, s11;
	v2 =	vmov s15  }
.Ltmp8:
0xa9: {  	[tilespmem:$0x4000] =	vst v2;
	(pc) =	sbr.rel @p0 .LBB2_1-.Ltmp8, $4  }
0xaa: {  	[hbm4b:s10+s2] =	stream.linear.scatter [tilespmem:s13], [sflag:$0x1], $0x10, $0x38;
	[tilespmem:$0x4010] =	vst v63  }
0xab: {  	_ =	swait.ge [sflag:s12], $0x10  }
0xac: {  	[sflag:s12] =	ssyncset.done $0x0  }
0xad: {  	[sflag:s12] =	ssyncadd.s32 $0xFFFFFFF0  }
0xae: {  	_ =	sfence.sel $0x180000  }
0xaf: {  	[bflag:$0x0] =	sbarrier.arrive $0xFFFF  }
0xb0: {  	p0 =	sne.s32 s1, $0x0;
	_ =	strace $0x90000047  }
0xb1: {  	s0 =	sadd.s32 @!p0 $0x100000, s0;
	[bflag:$0x2] =	sbarrier.arrive $0xFFFF  }
0xb2: {  	[sflag:s0] =	ssyncadd.tile.s32 @!p0 $0x1;
	_ =	shalt  }
.Lfunc_end2:
_tile_overlayer_lowered:
.L_overlay_start_2:
0xb3: {  	(tag) =	ssettag $0x2  }
0xb4: {  	s0 =	rddreg [dreg:$0x0];
	s2 =	stileid.u32  }
0xb5: {  	s1 =	rddreg [dreg:$0x1];
	p0 =	sne.s32 s2, $0x0  }
0xb6: {  	s3 =	rddreg [dreg:$0x2];
	[bflag:$0x3] =	sbarrier.arrive $0xFFFF;
	s2 =	simm.s32 @!p0 $0x1C01  }
0xb7: {  	[timem:s3], [sflag:s2] =	dma.local @!p0 [hbm:s0], s1  }
0xb8: {  	s0 =	simm.s32 @!p0 $0x1  }
0xb9: {  	_ =	swait.ge @!p0 [sflag:s0], s1  }
0xba: {  	s1 =	ssub.s32 @!p0 $0x0, s1;
	[sflag:s0] =	ssyncset.done @!p0 $0x0  }
0xbb: {  	[sflag:s0] =	ssyncadd.s32 @!p0 s1  }
0xbc: {  	[bflag:$0x3] =	sbarrier.arrive $0xFFFF  }
0xbd: {  	_ =	shalt  }

</sc_bundles>
